<compile_context>
chip_gen: v7x
topology: tpu7x:2x2x1
jax: 0.10.2.dev20260603
libtpu: 0.0.44.dev20260713+nightly
codegen_flags: <defaults>
</compile_context>

<pallas_src>
import functools

import jax
import jax.numpy as jnp
from jax.experimental import pallas as pl
from jax.experimental.pallas import tpu as pltpu
from jax.experimental.pallas import tpu_sc as plsc

NB_CODE = 8192
CODE_DIM = 256
SCALES = [1, 2, 4, 8]


def _length_to_mask(length, max_len):
    return jnp.arange(max_len)[None, :] < length[:, None]


def _upsample_linear(x, T_out):
    T_in = x.shape[-1]
    scale = T_in / T_out
    out_idx = jnp.arange(T_out, dtype=jnp.float32)
    src = jnp.clip((out_idx + 0.5) * scale - 0.5, 0.0, T_in - 1)
    i0 = jnp.floor(src).astype(jnp.int32)
    i1 = jnp.minimum(i0 + 1, T_in - 1)
    w = src - i0.astype(jnp.float32)
    return x[..., i0] * (1.0 - w) + x[..., i1] * w


def _sc_gather(codebook, code_idx):
    M = code_idx.shape[0]
    W = 128
    idx2 = code_idx.reshape(1, M)
    mesh = plsc.VectorSubcoreMesh(core_axis_name="core",
                                  subcore_axis_name="subcore")

    @functools.partial(
        pl.kernel,
        out_type=jax.ShapeDtypeStruct((M, CODE_DIM), codebook.dtype),
        mesh=mesh)
    def k(cb_hbm, i_hbm, o_hbm):
        def body(i_vmem, o_vmem):
            pltpu.sync_copy(cb_hbm.at[i_vmem.at[0]], o_vmem)

        pltpu.emit_pipeline(
            body,
            grid=(M // W,),
            in_specs=[pl.BlockSpec((1, W), lambda i: (0, i))],
            out_specs=[pl.BlockSpec((W, CODE_DIM), lambda i: (i, 0))],
            core_axis_name=("core", "subcore"),
            dimension_semantics=(pltpu.PARALLEL,),
        )(i_hbm, o_hbm)

    return k(codebook, idx2)


def _loss_body(x_ref, f1_ref, f2_ref, f3_ref, f4_ref, m_ref, o_ref):
    i = pl.program_id(0)
    x = x_ref[...]
    m = m_ref[...]
    sums = [jnp.sum(((x - f_ref[...]) ** 2) * m).reshape(1, 1)
            for f_ref in (f1_ref, f2_ref, f3_ref, f4_ref)]
    part = jnp.concatenate(sums, axis=1)

    @pl.when(i == 0)
    def _():
        o_ref[...] = part

    @pl.when(i != 0)
    def _():
        o_ref[...] += part


def _masked_sq_errs(x, f_hats, mask3):
    N, C, T = x.shape
    blk = pl.BlockSpec((1, C, T), lambda i: (i, 0, 0))
    out = pl.pallas_call(
        _loss_body,
        grid=(N,),
        in_specs=[blk, blk, blk, blk, blk,
                  pl.BlockSpec((1, 1, T), lambda i: (i, 0, 0))],
        out_specs=pl.BlockSpec((1, 4), lambda i: (0, 0)),
        out_shape=jax.ShapeDtypeStruct((1, 4), jnp.float32),
    )(x, *f_hats, mask3)
    return out[0]


def kernel(x, m_lens, codebook):
    N, C, T = x.shape
    residual = x
    f_hat = jnp.zeros_like(x)
    loss = jnp.float32(0.0)
    full_mask = _length_to_mask(m_lens, T).astype(x.dtype)
    cb_sq = jnp.sum(codebook ** 2, axis=1)
    mask3 = full_mask[:, None, :]
    denom = mask3.sum() * T
    f_hat_snaps = []
    for scale in SCALES:
        residual = residual * full_mask[:, None, :]
        if scale != 1:
            Ts = T // scale
            rest_down = residual.reshape(N, C, Ts, scale).mean(axis=-1)
        else:
            Ts = T
            rest_down = residual
        mask_s = _length_to_mask(m_lens // scale, Ts)
        flat = rest_down.transpose(0, 2, 1).reshape(N * Ts, C)
        dist = (jnp.sum(flat ** 2, axis=-1, keepdims=True)
                - 2.0 * (flat @ codebook.T) + cb_sq[None, :])
        code_idx = jnp.argmax(-dist, axis=-1)
        x_d = jnp.take(codebook, code_idx, axis=0)
        flat_mask = mask_s.reshape(N * Ts)
        x_d = jnp.where(flat_mask[:, None], x_d, 0.0)
        x_d = x_d.reshape(N, Ts, C).transpose(0, 2, 1)
        up = _upsample_linear(x_d, T)
        residual = residual - up
        f_hat = f_hat + up
        f_hat_snaps.append(jax.lax.stop_gradient(f_hat))
    sums = _masked_sq_errs(x, f_hat_snaps, mask3)
    for k in range(len(SCALES)):
        loss = loss + sums[k] / denom
    f_hat_st = x + jax.lax.stop_gradient(f_hat - x)
    return f_hat_st, loss

# --- scband reference (transcript-rebuilt; emitter-appended) ---
"""Pipeline reference for scband-hrquantize-emareset-22582938043137 (READ-ONLY COPY).

The authoritative reference and input builder live on the scoring server;
editing this copy changes nothing except your own understanding.
"""

import jax, jax.numpy as jnp
import numpy as np

NB_CODE = 8192
CODE_DIM = 256
MU = 0.99
SCALES = [1, 2, 4, 8]


def length_to_mask(length, max_len):
    return jnp.arange(max_len)[None, :] < length[:, None]


def upsample_linear(x, T_out):
    # matches F.interpolate(mode='linear', align_corners=False)
    T_in = x.shape[-1]
    scale = T_in / T_out
    out_idx = jnp.arange(T_out, dtype=jnp.float32)
    src = jnp.clip((out_idx + 0.5) * scale - 0.5, 0.0, T_in - 1)
    i0 = jnp.floor(src).astype(jnp.int32)
    i1 = jnp.minimum(i0 + 1, T_in - 1)
    w = src - i0.astype(jnp.float32)
    return x[..., i0] * (1.0 - w) + x[..., i1] * w


def setup_inputs(seed: int = 0):
    key = jax.random.key(seed)
    k1, k2, k3 = jax.random.split(key, 3)
    x = jax.random.normal(k1, (16, CODE_DIM, 512), dtype=jnp.float32)
    m_lens = jax.random.randint(k2, (16,), 256, 513)  # lengths in [256, 512]
    codebook = jax.random.normal(k3, (NB_CODE, CODE_DIM), dtype=jnp.float32) * 0.02
    return {"x": x, "m_lens": m_lens, "codebook": codebook}


def reference(x, m_lens, codebook):
    # eval-mode forward of HRQuantizeEMAReset (temperature=0, no quantize dropout)
    N, C, T = x.shape
    residual = x
    f_hat = jnp.zeros_like(x)
    loss = jnp.float32(0.0)
    full_mask = length_to_mask(m_lens, T).astype(x.dtype)  # [N, T]
    cb_sq = jnp.sum(codebook ** 2, axis=1)  # [K]
    for scale in SCALES:
        residual = residual * full_mask[:, None, :]
        if scale != 1:
            Ts = T // scale
            rest_down = residual.reshape(N, C, Ts, scale).mean(axis=-1)  # area interp
        else:
            Ts = T
            rest_down = residual
        mask_s = length_to_mask(m_lens // scale, Ts)  # [N, Ts] bool
        flat = rest_down.transpose(0, 2, 1).reshape(N * Ts, C)  # (n t) c
        # distance = ||x||^2 - 2 x.cb^T + ||cb||^2; argmax(-distance)
        dist = jnp.sum(flat ** 2, axis=-1, keepdims=True) - 2.0 * (flat @ codebook.T) + cb_sq[None, :]
        code_idx = jnp.argmax(-dist, axis=-1)
        x_d = jnp.take(codebook, code_idx, axis=0)  # dequantize
        flat_mask = mask_s.reshape(N * Ts)
        x_d = jnp.where(flat_mask[:, None], x_d, 0.0)
        x_d = x_d.reshape(N, Ts, C).transpose(0, 2, 1)  # n c t
        up = upsample_linear(x_d, T)
        residual = residual - up
        f_hat = f_hat + up
        # mean_flat with mask (denominator replicates original: mask.sum() * last-dim size)
        err = (x - jax.lax.stop_gradient(f_hat)) ** 2  # [N, C, T]
        mask3 = full_mask[:, None, :]
        denom = mask3.sum() * T
        loss = loss + (err * mask3).sum() / denom
    f_hat_st = x + jax.lax.stop_gradient(f_hat - x)  # straight-through
    return f_hat_st, loss

if __name__ == "__main__":
    import jax
    _d = setup_inputs()
    print(jax.jit(kernel)(*tuple(_d.values())))

</pallas_src>

<mosaic_0001>
module attributes {stable_mosaic.version = 14 : i64} {
  func.func @_loss_body(%arg0: i32, %arg1: memref<1x256x512xf32, #tpu.memory_space<vmem>>, %arg2: memref<1x256x512xf32, #tpu.memory_space<vmem>>, %arg3: memref<1x256x512xf32, #tpu.memory_space<vmem>>, %arg4: memref<1x256x512xf32, #tpu.memory_space<vmem>>, %arg5: memref<1x256x512xf32, #tpu.memory_space<vmem>>, %arg6: memref<1x1x512xf32, #tpu.memory_space<vmem>>, %arg7: memref<1x4xf32, #tpu.memory_space<vmem>>) attributes {dimension_semantics = [#tpu.dimension_semantics<arbitrary>], iteration_bounds = array<i64: 16>, scalar_prefetch = 0 : i64, scratch_operands = 0 : i64, tpu.core_type = #tpu.core_type<tc>, window_params = [{transform_indices = @transform_0, window_bounds = array<i64: 1, 256, 512>}, {transform_indices = @transform_1, window_bounds = array<i64: 1, 256, 512>}, {transform_indices = @transform_2, window_bounds = array<i64: 1, 256, 512>}, {transform_indices = @transform_3, window_bounds = array<i64: 1, 256, 512>}, {transform_indices = @transform_4, window_bounds = array<i64: 1, 256, 512>}, {transform_indices = @transform_5, window_bounds = array<i64: 1, 1, 512>}, {pipeline_mode = #tpu.pipeline_mode<synchronous>, transform_indices = @transform_6, window_bounds = array<i64: 1, 4>}]} {
    %get3A = arith.constant 0 : index
    %get3A_0 = arith.constant 0 : index
    %get3A_1 = arith.constant 0 : index
    %get3A_2 = vector.load %arg1[%get3A, %get3A_0, %get3A_1] : memref<1x256x512xf32, #tpu.memory_space<vmem>>, vector<1x256x512xf32>
    %get3A_3 = arith.constant 0 : index
    %get3A_4 = arith.constant 0 : index
    %get3A_5 = arith.constant 0 : index
    %get3A_6 = vector.load %arg6[%get3A_3, %get3A_4, %get3A_5] : memref<1x1x512xf32, #tpu.memory_space<vmem>>, vector<1x1x512xf32>
    %get3A_7 = arith.constant 0 : index
    %get3A_8 = arith.constant 0 : index
    %get3A_9 = arith.constant 0 : index
    %get3A_10 = vector.load %arg2[%get3A_7, %get3A_8, %get3A_9] : memref<1x256x512xf32, #tpu.memory_space<vmem>>, vector<1x256x512xf32>
    %sub3A = arith.subf %get3A_2, %get3A_10 : vector<1x256x512xf32>
    %integer_pow3A = arith.mulf %sub3A, %sub3A : vector<1x256x512xf32>
    %mul3A = vector.broadcast %get3A_6 : vector<1x1x512xf32> to vector<1x256x512xf32>
    %mul3A_11 = arith.mulf %integer_pow3A, %mul3A : vector<1x256x512xf32>
    %reduce_sum3A = vector.shape_cast %mul3A_11 : vector<1x256x512xf32> to vector<1x1x256x512xf32>
    %reduce_sum3A_12 = arith.constant dense<0.000000e+00> : vector<1xf32>
    %reduce_sum3A_13 = vector.multi_reduction <add>, %reduce_sum3A, %reduce_sum3A_12 [1, 2, 3] : vector<1x1x256x512xf32> to vector<1xf32>
    %reduce_sum3A_14 = vector.shape_cast %reduce_sum3A_13 : vector<1xf32> to vector<1x1x1x1xf32>
    %reduce_sum3A_15 = vector.extract %reduce_sum3A_14[0, 0, 0, 0] : f32 from vector<1x1x1x1xf32>
    %reshape3A = vector.broadcast %reduce_sum3A_15 : f32 to vector<1x1xf32>
    %get3A_16 = arith.constant 0 : index
    %get3A_17 = arith.constant 0 : index
    %get3A_18 = arith.constant 0 : index
    %get3A_19 = vector.load %arg3[%get3A_16, %get3A_17, %get3A_18] : memref<1x256x512xf32, #tpu.memory_space<vmem>>, vector<1x256x512xf32>
    %sub3A_20 = arith.subf %get3A_2, %get3A_19 : vector<1x256x512xf32>
    %integer_pow3A_21 = arith.mulf %sub3A_20, %sub3A_20 : vector<1x256x512xf32>
    %mul3A_22 = vector.broadcast %get3A_6 : vector<1x1x512xf32> to vector<1x256x512xf32>
    %mul3A_23 = arith.mulf %integer_pow3A_21, %mul3A_22 : vector<1x256x512xf32>
    %reduce_sum3A_24 = vector.shape_cast %mul3A_23 : vector<1x256x512xf32> to vector<1x1x256x512xf32>
    %reduce_sum3A_25 = arith.constant dense<0.000000e+00> : vector<1xf32>
    %reduce_sum3A_26 = vector.multi_reduction <add>, %reduce_sum3A_24, %reduce_sum3A_25 [1, 2, 3] : vector<1x1x256x512xf32> to vector<1xf32>
    %reduce_sum3A_27 = vector.shape_cast %reduce_sum3A_26 : vector<1xf32> to vector<1x1x1x1xf32>
    %reduce_sum3A_28 = vector.extract %reduce_sum3A_27[0, 0, 0, 0] : f32 from vector<1x1x1x1xf32>
    %reshape3A_29 = vector.broadcast %reduce_sum3A_28 : f32 to vector<1x1xf32>
    %get3A_30 = arith.constant 0 : index
    %get3A_31 = arith.constant 0 : index
    %get3A_32 = arith.constant 0 : index
    %get3A_33 = vector.load %arg4[%get3A_30, %get3A_31, %get3A_32] : memref<1x256x512xf32, #tpu.memory_space<vmem>>, vector<1x256x512xf32>
    %sub3A_34 = arith.subf %get3A_2, %get3A_33 : vector<1x256x512xf32>
    %integer_pow3A_35 = arith.mulf %sub3A_34, %sub3A_34 : vector<1x256x512xf32>
    %mul3A_36 = vector.broadcast %get3A_6 : vector<1x1x512xf32> to vector<1x256x512xf32>
    %mul3A_37 = arith.mulf %integer_pow3A_35, %mul3A_36 : vector<1x256x512xf32>
    %reduce_sum3A_38 = vector.shape_cast %mul3A_37 : vector<1x256x512xf32> to vector<1x1x256x512xf32>
    %reduce_sum3A_39 = arith.constant dense<0.000000e+00> : vector<1xf32>
    %reduce_sum3A_40 = vector.multi_reduction <add>, %reduce_sum3A_38, %reduce_sum3A_39 [1, 2, 3] : vector<1x1x256x512xf32> to vector<1xf32>
    %reduce_sum3A_41 = vector.shape_cast %reduce_sum3A_40 : vector<1xf32> to vector<1x1x1x1xf32>
    %reduce_sum3A_42 = vector.extract %reduce_sum3A_41[0, 0, 0, 0] : f32 from vector<1x1x1x1xf32>
    %reshape3A_43 = vector.broadcast %reduce_sum3A_42 : f32 to vector<1x1xf32>
    %get3A_44 = arith.constant 0 : index
    %get3A_45 = arith.constant 0 : index
    %get3A_46 = arith.constant 0 : index
    %get3A_47 = vector.load %arg5[%get3A_44, %get3A_45, %get3A_46] : memref<1x256x512xf32, #tpu.memory_space<vmem>>, vector<1x256x512xf32>
    %sub3A_48 = arith.subf %get3A_2, %get3A_47 : vector<1x256x512xf32>
    %integer_pow3A_49 = arith.mulf %sub3A_48, %sub3A_48 : vector<1x256x512xf32>
    %mul3A_50 = vector.broadcast %get3A_6 : vector<1x1x512xf32> to vector<1x256x512xf32>
    %mul3A_51 = arith.mulf %integer_pow3A_49, %mul3A_50 : vector<1x256x512xf32>
    %reduce_sum3A_52 = vector.shape_cast %mul3A_51 : vector<1x256x512xf32> to vector<1x1x256x512xf32>
    %reduce_sum3A_53 = arith.constant dense<0.000000e+00> : vector<1xf32>
    %reduce_sum3A_54 = vector.multi_reduction <add>, %reduce_sum3A_52, %reduce_sum3A_53 [1, 2, 3] : vector<1x1x256x512xf32> to vector<1xf32>
    %reduce_sum3A_55 = vector.shape_cast %reduce_sum3A_54 : vector<1xf32> to vector<1x1x1x1xf32>
    %reduce_sum3A_56 = vector.extract %reduce_sum3A_55[0, 0, 0, 0] : f32 from vector<1x1x1x1xf32>
    %reshape3A_57 = vector.broadcast %reduce_sum3A_56 : f32 to vector<1x1xf32>
    %concatenate3A = tpu.concatenate %reshape3A, %reshape3A_29, %reshape3A_43, %reshape3A_57 in 1 : vector<1x1xf32>, vector<1x1xf32>, vector<1x1xf32>, vector<1x1xf32> -> vector<1x4xf32>
    %eq3A = arith.constant 0 : i32
    %eq3A_58 = arith.cmpi eq, %arg0, %eq3A : i32
    %convert_element_type3A = arith.extui %eq3A_58 : i1 to i32
    %cond3A = arith.constant 0 : i32
    %cond3A_59 = arith.cmpi ne, %convert_element_type3A, %cond3A : i32
    scf.if %cond3A_59 {
      %swap3A = arith.constant 0 : index
      %swap3A_64 = arith.constant 0 : index
      %swap3A_65 = vector.load %arg7[%swap3A, %swap3A_64] : memref<1x4xf32, #tpu.memory_space<vmem>>, vector<1x4xf32>
      tpu.vector_store %arg7[%swap3A, %swap3A_64], %concatenate3A {strides = array<i32>} : memref<1x4xf32, #tpu.memory_space<vmem>>, vector<1x4xf32>,
    } else {
    }
    %ne3A = arith.constant 0 : i32
    %ne3A_60 = arith.cmpi ne, %arg0, %ne3A : i32
    %convert_element_type3A_61 = arith.extui %ne3A_60 : i1 to i32
    %cond3A_62 = arith.constant 0 : i32
    %cond3A_63 = arith.cmpi ne, %convert_element_type3A_61, %cond3A_62 : i32
    scf.if %cond3A_63 {
      %get3A_64 = arith.constant 0 : index
      %get3A_65 = arith.constant 0 : index
      %get3A_66 = vector.load %arg7[%get3A_64, %get3A_65] : memref<1x4xf32, #tpu.memory_space<vmem>>, vector<1x4xf32>
      %add3A = arith.addf %get3A_66, %concatenate3A : vector<1x4xf32>
      %swap3A = arith.constant 0 : index
      %swap3A_67 = arith.constant 0 : index
      %swap3A_68 = vector.load %arg7[%swap3A, %swap3A_67] : memref<1x4xf32, #tpu.memory_space<vmem>>, vector<1x4xf32>
      tpu.vector_store %arg7[%swap3A, %swap3A_67], %add3A {strides = array<i32>} : memref<1x4xf32, #tpu.memory_space<vmem>>, vector<1x4xf32>,
    } else {
    }
    return
  }
  func.func @transform_0(%arg0: i32) -> (i32, i32, i32) {
    %c0_i32 = arith.constant 0 : i32
    %c0_i32_0 = arith.constant 0 : i32
    %c0_i32_1 = arith.constant 0 : i32
    return %arg0, %c0_i32, %c0_i32_0 : i32, i32, i32
  }
  func.func @transform_1(%arg0: i32) -> (i32, i32, i32) {
    %c0_i32 = arith.constant 0 : i32
    %c0_i32_0 = arith.constant 0 : i32
    %c0_i32_1 = arith.constant 0 : i32
    return %arg0, %c0_i32, %c0_i32_0 : i32, i32, i32
  }
  func.func @transform_2(%arg0: i32) -> (i32, i32, i32) {
    %c0_i32 = arith.constant 0 : i32
    %c0_i32_0 = arith.constant 0 : i32
    %c0_i32_1 = arith.constant 0 : i32
    return %arg0, %c0_i32, %c0_i32_0 : i32, i32, i32
  }
  func.func @transform_3(%arg0: i32) -> (i32, i32, i32) {
    %c0_i32 = arith.constant 0 : i32
    %c0_i32_0 = arith.constant 0 : i32
    %c0_i32_1 = arith.constant 0 : i32
    return %arg0, %c0_i32, %c0_i32_0 : i32, i32, i32
  }
  func.func @transform_4(%arg0: i32) -> (i32, i32, i32) {
    %c0_i32 = arith.constant 0 : i32
    %c0_i32_0 = arith.constant 0 : i32
    %c0_i32_1 = arith.constant 0 : i32
    return %arg0, %c0_i32, %c0_i32_0 : i32, i32, i32
  }
  func.func @transform_5(%arg0: i32) -> (i32, i32, i32) {
    %c0_i32 = arith.constant 0 : i32
    %c0_i32_0 = arith.constant 0 : i32
    %c0_i32_1 = arith.constant 0 : i32
    return %arg0, %c0_i32, %c0_i32_0 : i32, i32, i32
  }
  func.func @transform_6(%arg0: i32) -> (i32, i32) {
    %c0_i32 = arith.constant 0 : i32
    %c0_i32_0 = arith.constant 0 : i32
    %c0_i32_1 = arith.constant 0 : i32
    return %c0_i32, %c0_i32_0 : i32, i32
  }
}

</mosaic_0001>

<sc_bundles>
// kernel: gather_offload_async_start.1
scs
__scs_entry_jumppad:
0x0: {  	(pc) =	sbr.rel $0x88, $3  }
0x1: {  	(tag) =	ssettag $0x0;
	lr =	simm.s32 $0x1  }
0x2: {  	[smem:$0x3F9E] =	sst lr;
	_ =	strace $0xD0000000  }
0x3: {  	_ = 	snop  }
0x4: {  	_ = 	snop  }
0x5: {  	_ = 	snop  }
0x6: {  	_ = 	snop  }
0x7: {  	_ = 	snop  }
__scs_overlays_trampoline_lowered:
0x8: {  	[smem:$0x3FAD] =	sst s0  }
0x9: {  	[smem:$0x3FAE] =	sst s1  }
0xa: {  	[smem:$0x3FAF] =	sst s2  }
0xb: {  	[smem:$0x3FB0] =	sst s3  }
0xc: {  	[smem:$0x3FB1] =	sst s4  }
0xd: {  	[smem:$0x3FB2] =	sst s5  }
0xe: {  	[smem:$0x3FB3] =	sst s6  }
0xf: {  	[smem:$0x3FB4] =	sst s7  }
0x10: {  	[smem:$0x3FB5] =	sst s8  }
0x11: {  	[smem:$0x3FB6] =	sst s9;
	s0 =	simm.s32 @!p0 $0x0  }
0x12: {  	s1 =	sld [smem:$0x3F9C];
	s0 =	simm.s32 @p0 $0x1  }
0x13: {  	[smem:$0x3FB7] =	sst s0;
	s0 =	simm.s32 @!p1 $0x0  }
0x14: {  	s2 =	sld [smem:$0x3F9B];
	s0 =	simm.s32 @p1 $0x1  }
0x15: {  	[smem:$0x3FB8] =	sst s0;
	s0 =	simm.s32 @!p2 $0x0  }
0x16: {  	s3 =	sld [smem:$0x3FDB];
	s0 =	simm.s32 @p2 $0x1  }
0x17: {  	s4 =	simm.s32 $0x1BF5;
	[smem:$0x3FBA] =	sst s0  }
0x18: {  	s0 =	sld [smem:$0x3F9D];
	_ =	swait.ge [sflag:s4], $0x0  }
0x19: {  	s7 =	sld [smem:$0x3F9E]  }
0x1a: {  	s8 =	sadd.s32 $0xFFFFE003, lr  }
0x1b: {  	s9 =	sadd.s32 $0xFFFFFEF7, lr;
	s5 =	simm.s32 $0xFFFFFFFF;
	p2 =	slt.u32 s8, $0xFFFFF086  }
0x1c: {  	p1 =	slt.u32 s9, $0xF7A;
	s5 =	simm.s32 @!p2 $0x0  }
0x1d: {  	s5 =	simm.s32 @p1 $0x1;
	p0 =	seq.s32 s7, s2  }
0x1e: {  	s7 =	smul.u32 @!p0 $0xF7A, s2;
	p2 =	seq.s32 @!p0 s5, $0x0  }
0x1f: {  	s9 =	smul.u32 $0xF7A, s1;
	s8 =	simm.s32 @!p0 $0x1BF5;
	p2 =	por !p2, p0  }
0x20: {  	[sflag:s8] =	ssyncset.s32 @!p0 $0xFFFFF086;
	s6 =	sadd.s32 @!p0 s3, s7;
	s7 =	simm.s32 @!p0 $0x108  }
0x21: {  	s3 =	sadd.s32 s3, s9;
	s6 =	sadd.s32 @!p0 $0x88, s6;
	s7 =	simm.s32 @p2 $0x1082  }
0x22: {  	[simem:s7], [sflag:s8] =	dma.local @!p0 [hbm:s6], $0xF7A  }
0x23: {  	s9 =	sor.u32 $0xD0000000, s2;
	s6 =	simm.s32 $0x108;
	_ =	swait.ge @!p0 [sflag:s8], $0x0  }
0x24: {  	s3 =	sadd.s32 $0x88, s3;
	s6 =	simm.s32 @!p1 $0x1082;
	[sflag:s4] =	ssyncset.s32 $0xFFFFF086  }
0x25: {  	[simem:s6], [sflag:s4] =	dma.local [hbm:s3], $0xF7A  }
0x26: {  	[smem:$0x3F9E] =	sst s1;
	(tag) =	ssettag s2;
	_ =	strace s9  }
0x27: {  	s1 =	sld [smem:$0x3FAE]  }
0x28: {  	s2 =	sld [smem:$0x3FAF]  }
0x29: {  	s4 =	sld [smem:$0x3FB1]  }
0x2a: {  	p0 =	seq.s32 s5, $0x0;
	s5 =	sld [smem:$0x3FB2]  }
0x2b: {  	s6 =	sld [smem:$0x3FB3]  }
0x2c: {  	s7 =	sld [smem:$0x3FB4]  }
0x2d: {  	s3 =	simm.s32 $0x108;
	s8 =	sld [smem:$0x3FB5]  }
0x2e: {  	s3 =	simm.s32 @!p0 $0x1082;
	s9 =	sld [smem:$0x3FB6]  }
0x2f: {  	lr =	sadd.s32 s0, s3;
	s0 =	sld [smem:$0x3FAD]  }
0x30: {  	s3 =	sld [smem:$0x3FB0]  }
0x31: {  	[smem:$0x3FB9] =	sst s10  }
0x32: {  	s10 =	sld [smem:$0x3FB7];
	_ =	sdelay $0x3  }
0x33: {  	p0 =	seq.s32 s10, $0x1;
	s10 =	sld [smem:$0x3FB9];
	_ =	sdelay $0x3  }
0x34: {  	[smem:$0x3FB9] =	sst s10  }
0x35: {  	s10 =	sld [smem:$0x3FB8];
	_ =	sdelay $0x3  }
0x36: {  	p1 =	seq.s32 s10, $0x1;
	s10 =	sld [smem:$0x3FB9];
	_ =	sdelay $0x3  }
0x37: {  	[smem:$0x3FB9] =	sst s10  }
0x38: {  	s10 =	sld [smem:$0x3FBA]  }
0x39: {  	_ = 	snop;
	(pc) =	sbr.ind lr, $3  }
0x3a: {  	_ = 	snop  }
0x3b: {  	_ = 	snop  }
0x3c: {  	p2 =	seq.s32 s10, $0x1;
	s10 =	sld [smem:$0x3FB9]  }
0x3d: {  	_ =	shalt  }
0x3e: {  	_ =	shalt  }
0x3f: {  	_ =	shalt  }
0x40: {  	_ =	shalt  }
0x41: {  	_ =	shalt  }
0x42: {  	_ =	shalt  }
0x43: {  	_ =	shalt  }
0x44: {  	_ =	shalt  }
0x45: {  	_ =	shalt  }
0x46: {  	_ =	shalt  }
0x47: {  	_ =	shalt  }
0x48: {  	_ =	shalt  }
0x49: {  	_ =	shalt  }
0x4a: {  	_ =	shalt  }
0x4b: {  	_ =	shalt  }
0x4c: {  	_ =	shalt  }
0x4d: {  	_ =	shalt  }
0x4e: {  	_ =	shalt  }
0x4f: {  	_ =	shalt  }
0x50: {  	_ =	shalt  }
0x51: {  	_ =	shalt  }
0x52: {  	_ =	shalt  }
0x53: {  	_ =	shalt  }
0x54: {  	_ =	shalt  }
0x55: {  	_ =	shalt  }
0x56: {  	_ =	shalt  }
0x57: {  	_ =	shalt  }
0x58: {  	_ =	shalt  }
0x59: {  	_ =	shalt  }
0x5a: {  	_ =	shalt  }
0x5b: {  	_ =	shalt  }
0x5c: {  	_ =	shalt  }
0x5d: {  	_ =	shalt  }
0x5e: {  	_ =	shalt  }
0x5f: {  	_ =	shalt  }
0x60: {  	_ =	shalt  }
0x61: {  	_ =	shalt  }
0x62: {  	_ =	shalt  }
0x63: {  	_ =	shalt  }
0x64: {  	_ =	shalt  }
0x65: {  	_ =	shalt  }
0x66: {  	_ =	shalt  }
0x67: {  	_ =	shalt  }
0x68: {  	_ =	shalt  }
0x69: {  	_ =	shalt  }
0x6a: {  	_ =	shalt  }
0x6b: {  	_ =	shalt  }
0x6c: {  	_ =	shalt  }
0x6d: {  	_ =	shalt  }
0x6e: {  	_ =	shalt  }
0x6f: {  	_ =	shalt  }
0x70: {  	_ =	shalt  }
0x71: {  	_ =	shalt  }
0x72: {  	_ =	shalt  }
0x73: {  	_ =	shalt  }
0x74: {  	_ =	shalt  }
0x75: {  	_ =	shalt  }
0x76: {  	_ =	shalt  }
0x77: {  	_ =	shalt  }
0x78: {  	_ =	shalt  }
0x79: {  	_ =	shalt  }
0x7a: {  	_ =	shalt  }
0x7b: {  	_ =	shalt  }
0x7c: {  	_ =	shalt  }
0x7d: {  	_ =	shalt  }
0x7e: {  	_ =	shalt  }
0x7f: {  	_ =	shalt  }
0x80: {  	_ =	shalt  }
0x81: {  	_ =	shalt  }
0x82: {  	_ =	shalt  }
0x83: {  	_ =	shalt  }
0x84: {  	_ =	shalt  }
0x85: {  	_ =	shalt  }
0x86: {  	_ =	shalt  }
0x87: {  	_ =	shalt  }
.Lfunc_end0:
.L_simem_size_0:
called_computation.1_lowered:
.L_overlay_start_0:
0x88: {  	s2 =	sld [smem:$0x3FD9]  }
0x89: {  	s3 =	sld [smem:$0x3FFE];
	_ =	sdelay $0x1  }
0x8a: {  	s1 =	srdreg.scid  }
0x8b: {  	s0 =	sand.u32 $0x1, s1  }
0x8c: {  	s17 =	sshll.u32 s0, $0xA;
	s2 =	sadd.s32 s3, s2  }
0x8d: {  	s2 =	sadd.s32 s2, s17  }
0x8e: {  	[smem:$0x3FC5] =	sst s2  }
0x8f: {  	_ = 	snop  }
0x90: {  	s2 =	sld [smem:$0x3FC7];
	(tm) =	ssettm $0x1  }
0x91: {  	s18 =	sld [smem:$0x3FFB];
	_ =	sdelay $0x3  }
0x92: {  	_ =	strace s18  }
0x93: {  	s3 =	sld [smem:$0x3FFC];
	_ =	sdelay $0x3  }
0x94: {  	_ =	strace s3  }
0x95: {  	s3 =	sld [smem:$0x3FFD];
	_ =	sdelay $0x3  }
0x96: {  	_ =	strace s3  }
0x97: {  	_ =	strace $0x8FFFFFFF  }
0x98: {  	s19 =	sld [smem:$0x3FDB];
	_ =	sdelay $0x1  }
0x99: {  	s4 =	simm.s32 $_scs_section_size  }
0x9a: {  	s5 =	simm.s32 $_size__tile_overlayer_lowered;
	s6 =	simm.s32 $_tile_overlayer_lowered  }
0x9b: {  	s22 =	simm.s32 $0x1BFF;
	s21 =	sshll.u32 s6, $0x1;
	s3 =	sadd.s32 s4, s19  }
0x9c: {  	s7 =	simm.s32 $0x0;
	s20 =	sshll.u32 s5, $0x1;
	s5 =	sadd.s32 s21, s3  }
0x9d: {  	[timem:s7], [sflag:s22] =	dma.local [hbm:s5], s20  }
0x9e: {  	_ =	swait.ge [sflag:s22], s20  }
0x9f: {  	s4 =	ssub.s32 $0x0, s20;
	[sflag:s22] =	ssyncset.done $0x0  }
0xa0: {  	[sflag:s22] =	ssyncadd.s32 s4;
	_ =	sdelay $0x1  }
0xa1: {  	s23 =	simm.s32 $0x1B8B  }
0xa2: {  	_ =	swait.ge [sflag:s23], $0x1  }
0xa3: {  	[sflag:s23] =	ssyncset.done $0x0  }
0xa4: {  	s25 =	simm.s32 $0x1B8E;
	s24 =	sld [smem:$0x3FFE];
	[sflag:s23] =	ssyncadd.s32 $0xFFFFFFFF  }
0xa5: {  	s26 =	simm.s32 $execute0_lowered;
	[smem:$0x3FD2] =	sst s25  }
0xa6: {  	s5 =	sshll.u32 s26, $0x1;
	_ =	strace $0x80000049;
	[dreg:$0x1] =	wrdreg $0xFFFFFFFF  }
0xa7: {  	s28 =	simm.s32 $_size_execute0_lowered;
	s3 =	sadd.s32 s3, s5;
	[dreg:$0x0] =	wrdreg $0x0  }
0xa8: {  	s5 =	sshll.u32 s28, $0x1;
	[dreg:$0x2] =	wrdreg s3  }
0xa9: {  	[dreg:$0x3] =	wrdreg s5  }
0xaa: {  	[dreg:$0x4] =	wrdreg $0xC0  }
0xab: {  	_ =	task [dreg:s7], $0x5FFFF  }
0xac: {  	[dreg:$0x1] =	wrdreg $0xFFFFFFFF  }
0xad: {  	[dreg:$0x0] =	wrdreg $0x60  }
0xae: {  	[dreg:$0x2] =	wrdreg s2  }
0xaf: {  	[dreg:$0x3] =	wrdreg s24  }
0xb0: {  	[dreg:$0x4] =	wrdreg $0x9  }
0xb1: {  	_ =	task.clear_ibuf [dreg:s7], $0x5FFFF;
	_ =	strace $0x90000049  }
0xb2: {  	s29 =	simm.s32 $0x9;
	_ =	strace $0x8000004B  }
0xb3: {  	_ =	swait.ge [sflag:s29], $0x1  }
0xb4: {  	[sflag:s29] =	ssyncadd.s32 $0xFFFFFFFF  }
0xb5: {  	_ =	strace $0x9000004B  }
0xb6: {  	_ =	sfence  }
0xb7: {  	s30 =	sld [smem:$0x0];
	_ =	sdelay $0x2  }
0xb8: {  	s31 =	sshll.u32 s1, $0xD;
	s1 =	sshrl.u32 s1, $0x2  }
0xb9: {  	s3 =	sand.u32 $0x4000, s31;
	s1 =	sadd.s32 s1, s30  }
0xba: {  	s0 =	sor.u32 s3, s0;
	s1 =	sshll.u32 s1, $0x11  }
0xbb: {  	s0 =	sor.u32 s1, s0  }
0xbc: {  	s0 =	sadd.s32 $0x8F2B, s0  }
0xbd: {  	[sflag:s0] =	ssyncadd.remote.s32 $0x1  }
0xbe: {  	_ =	sfence.sel $0xFFFF  }
0xbf: {  	[dreg:$0x0] =	wrdreg $0xFFFFFFFF;
	(pc) =	sbr.abs _section_cstart, $3  }
0xc0: {  	[dreg:$0x1] =	wrdreg $0xFFFFFFFF  }
0xc1: {  	_ =	task.clear_ibuf [dreg:s7], $0x2FFFF;
	_ =	strace $0x9FFFFFFF  }
0xc2: {  	(tm) =	ssettm $0x7FFFFFFF  }
0xc3: {  	_ =	shalt  }
tec
execute0_lowered:
.L_overlay_start_1:
0x0: {  	(tag) =	ssettag $0x1  }
0x1: {  	s2 =	rddreg [dreg:$0x0]  }
0x2: {  	s7 =	rddreg [dreg:$0x1]  }
0x3: {  	s0 =	rddreg [dreg:$0x2]  }
0x4: {  	s1 =	srdreg.scid;
	_ =	strace $0x8000004A;
	s4 =	simm.s32 $0x1  }
0x5: {  	s9 =	simm.s32 $0x3;
	s12 =	simm.s32 $0x0;
	s5 =	sshll.u32 s1, $0x4  }
.Ltmp0:
0x6: {  	s1 =	stileid.u32;
	s5 =	sand.u32 $0x10, s5;
	(pc) =	sbr.rel .LBB2_1-.Ltmp0, $4  }
0x7: {  	s10 =	simm.s32 $0x0;
	s3 =	sadd.s32 $0x200, s7;
	s6 =	sor.u32 s1, s5  }
0x8: {  	[sflag:s4] =	ssyncpa.u1 $0x0;
	s5 =	simm.s32 $0x2;
	s6 =	sshll.u32 s6, $0x7  }
0x9: {  	s7 =	sadd.s32 $0x42600, s7;
	[sflag:s5] =	ssyncpa.u1 $0x0;
	s8 =	sadd.s32 $0x80, s6  }
0xa: {  	vm0 =	vmmov $0xff;
	vm1 =	vcmask $0x3F20;
	[sflag:s9] =	ssyncpa.u1 $0x0;
	s9 =	simm.s32 $0x80;
	s11 =	smov.u32 s6  }
.LBB2_10:
0xb: {  	[hbm:s16] =	stream.linear.scatter [tilespmem:s13], [sflag:$0x3], $0x800, $0x38;
	[tilespmem:$0x10100] =	vst v63  }
.LBB2_11:
0xc: {  	p0 =	seq.s32 s10, $0x2  }
.Ltmp1:
0xd: {  	_ = 	snop;
	(pc) =	sbr.rel @p0 .LBB2_13-.Ltmp1, $1  }
0xe: {  	_ =	sdelay $0x3  }
.LBB2_12:
0xf: {  	s12 =	sadd.s32 $0x80, s11  }
0x10: {  	s13 =	smov.u32 s6;
	p0 =	slt.s32 s12, s8  }
0x11: {  	s13 =	smov.u32 @p0 s12  }
0x12: {  	s10 =	sadd.s32 $0x1, s10;
	s12 =	smov.u32 s11;
	s11 =	smov.u32 s13  }
.LBB2_1:
0x13: {  	p0 =	sne.s32 s10, $0x0  }
.Ltmp2:
0x14: {  	_ = 	snop;
	(pc) =	sbr.rel @!p0 .LBB2_2-.Ltmp2, $1  }
0x15: {  	_ =	sdelay $0x3  }
0x16: {  	s13 =	sand.u32 $0x1, s10  }
0x17: {  	p0 =	seq.s32 s13, $0x0  }
.Ltmp3:
0x18: {  	_ = 	snop;
	(pc) =	sbr.rel @p0 .LBB2_11-.Ltmp3, $1  }
0x19: {  	_ =	sdelay $0x3  }
0x1a: {  	_ =	swait.ge [sflag:s5], $0x80  }
0x1b: {  	[sflag:s5] =	ssyncset.done $0x0  }
0x1c: {  	s13 =	simm.s32 $0x0;
	[sflag:s5] =	ssyncadd.s32 $0xFFFFFF80  }
.LBB2_5:
0x1d: {  	s14 =	sshll.u32 s13, $0x4  }
0x1e: {  	s14 =	sand.u32 $0x3FFFFFF0, s14  }
0x1f: {  	v0 =	vld.msk [tilespmem:s14+$0x80 ss:$0x1], $0xffff;
	_ =	sdelay $0x4  }
0x20: {  	vm2 =	vgt.s32 v0, $0x0  }
0x21: {  	v0 =	vnsel vm2, $0x0, v0  }
0x22: {  	v0 =	vmin.u32 v0, $0x1FFF  }
0x23: {  	s31 =	sshll.u32 s13, $0xC;
	v1 =	vshll.u32 v0, $0x5;
	v0 =	vshll.u32 v0, $0x4  }
0x24: {  	s14 =	sand.u32 $0x3FFFF000, s31;
	v1 =	vand.u32 $0x3FF00, v1;
	v0 =	vand.u32 $0x70, v0  }
0x25: {  	p0 =	por $0x1, $0x1;
	s15 =	simm.s32 $0x0;
	s14 =	sadd.s32 $0x8100, s14;
	v0 =	vor.u32 v0, v1  }
.LBB2_6:
0x26: {  	_ =	sdelay $0x1  }
0x27: {  	s15 =	sshra.s32 s15, $0x2;
	p1 =	por p0, p0  }
.Ltmp4:
0x28: {  	s15 =	sadd.s32 s15, s14;
	(pc) =	sbr.rel @p1 .LBB2_6-.Ltmp4, $4  }
0x29: {  	[tilespmem:s15], [sflag:$0x1] =	stream.indirect_vreg.gather [hbm:s2], $0x80, v0, vm0, $0x38;
	[tilespmem:$0x10100] =	vst v63  }
0x2a: {  	s15 =	sadd.s32 $0x800, s15  }
0x2b: {  	[tilespmem:s15], [sflag:$0x1] =	stream.indirect_vreg.gather [hbm:s2], $0x80, v0, vm1, $0x38;
	[tilespmem:$0x10100] =	vst v63  }
0x2c: {  	p0 =	por $0x0, $0x0;
	v0 =	vadd.s32 $0x80, v0;
	s15 =	simm.s32 $0x1000  }
0x2d: {  	s13 =	sadd.s32 $0x1, s13  }
0x2e: {  	p0 =	sne.s32 s13, $0x8  }
.Ltmp5:
0x2f: {  	_ = 	snop;
	(pc) =	sbr.rel @p0 .LBB2_5-.Ltmp5, $1  }
0x30: {  	_ =	sdelay $0x3  }
0x31: {  	s13 =	sshll.u32 s12, $0x5  }
0x32: {  	_ =	swait.ge [sflag:s4], $0x8000;
	s31 =	sshll.u32 s12, $0x4;
	s13 =	sand.u32 $0xFFFFFF00, s13  }
0x33: {  	s14 =	simm.s32 $0x100;
	s12 =	sand.u32 $0x70, s31;
	s13 =	sadd.s32 s13, s7  }
0x34: {  	s15 =	simm.s32 $0x8900;
	[sflag:s4] =	ssyncset.done $0x0;
	s12 =	sadd.s32 s12, s13  }
0x35: {  	[sflag:s4] =	ssyncadd.s32 $0xFFFF8000;
	s13 =	simm.s32 $0x8100;
	s16 =	sadd.s32 $0x0, s12  }
.LBB2_9:
0x36: {  	[hbm:s16] =	stream.linear.scatter [tilespmem:s13], [sflag:$0x3], $0x800, $0x38;
	[tilespmem:$0x10100] =	vst v63  }
0x37: {  	s16 =	smov.u32 s14;
	s13 =	smov.u32 s15;
	p0 =	sne.s32 s14, $0xF00  }
.Ltmp6:
0x38: {  	s14 =	sadd.s32 $0x100, s14;
	(pc) =	sbr.rel @p0 .LBB2_9-.Ltmp6, $2  }
0x39: {  	_ =	sdelay $0x2  }
0x3a: {  	s15 =	sadd.s32 $0x800, s15;
	s16 =	sadd.s32 s16, s12  }
.Ltmp7:
0x3b: {  	_ = 	snop;
	(pc) =	sbr.rel .LBB2_10-.Ltmp7, $1  }
0x3c: {  	_ =	sdelay $0x3  }
.LBB2_2:
.Ltmp8:
0x3d: {  	(pc) =	sbr.rel .LBB2_12-.Ltmp8, $4  }
0x3e: {  	_ = 	snop  }
0x3f: {  	s12 =	sshrl.u32 s11, $0x3  }
0x40: {  	s13 =	sand.u32 $0x7, s11;
	s12 =	sadd.s32 s3, s12  }
0x41: {  	[tilespmem:s9], [sflag:$0x2] =	stream.linear.gather [hbm4b:s12+s13], $0x80, $0x38;
	[tilespmem:$0x10100] =	vst v63  }
.LBB2_13:
0x42: {  	s2 =	simm.s32 $0x3  }
0x43: {  	_ =	swait.ge [sflag:s2], $0x8000  }
0x44: {  	[sflag:s2] =	ssyncset.done $0x0  }
0x45: {  	[sflag:s2] =	ssyncadd.s32 $0xFFFF8000  }
0x46: {  	_ =	sfence.sel $0x180000  }
0x47: {  	s3 =	simm.s32 $0x2;
	[bflag:$0x0] =	sbarrier.arrive $0xFFFF  }
0x48: {  	[sflag:s3] =	ssyncpa.u1 $0x1  }
0x49: {  	s31 =	simm.s32 $0x1;
	[sflag:s2] =	ssyncpa.u1 $0x1  }
0x4a: {  	[sflag:s31] =	ssyncpa.u1 $0x1  }
0x4b: {  	p0 =	sne.s32 s1, $0x0;
	_ =	strace $0x9000004A  }
0x4c: {  	s0 =	sadd.s32 @!p0 $0x100000, s0;
	[bflag:$0x2] =	sbarrier.arrive $0xFFFF  }
0x4d: {  	[sflag:s0] =	ssyncadd.tile.s32 @!p0 $0x1;
	_ =	shalt  }
.Lfunc_end2:
_tile_overlayer_lowered:
.L_overlay_start_2:
0x4e: {  	(tag) =	ssettag $0x2  }
0x4f: {  	s0 =	rddreg [dreg:$0x0];
	s2 =	stileid.u32  }
0x50: {  	s1 =	rddreg [dreg:$0x1];
	p0 =	sne.s32 s2, $0x0  }
0x51: {  	s3 =	rddreg [dreg:$0x2];
	[bflag:$0x3] =	sbarrier.arrive $0xFFFF;
	s2 =	simm.s32 @!p0 $0x1C01  }
0x52: {  	[timem:s3], [sflag:s2] =	dma.local @!p0 [hbm:s0], s1  }
0x53: {  	s0 =	simm.s32 @!p0 $0x1  }
0x54: {  	_ =	swait.ge @!p0 [sflag:s0], s1  }
0x55: {  	s1 =	ssub.s32 @!p0 $0x0, s1;
	[sflag:s0] =	ssyncset.done @!p0 $0x0  }
0x56: {  	[sflag:s0] =	ssyncadd.s32 @!p0 s1  }
0x57: {  	[bflag:$0x3] =	sbarrier.arrive $0xFFFF  }
0x58: {  	_ =	shalt  }

// kernel: gather_offload_async_start.2
scs
__scs_entry_jumppad:
0x0: {  	(pc) =	sbr.rel $0x88, $3  }
0x1: {  	(tag) =	ssettag $0x0;
	lr =	simm.s32 $0x1  }
0x2: {  	[smem:$0x3F9E] =	sst lr;
	_ =	strace $0xD0000000  }
0x3: {  	_ = 	snop  }
0x4: {  	_ = 	snop  }
0x5: {  	_ = 	snop  }
0x6: {  	_ = 	snop  }
0x7: {  	_ = 	snop  }
__scs_overlays_trampoline_lowered:
0x8: {  	[smem:$0x3FAD] =	sst s0  }
0x9: {  	[smem:$0x3FAE] =	sst s1  }
0xa: {  	[smem:$0x3FAF] =	sst s2  }
0xb: {  	[smem:$0x3FB0] =	sst s3  }
0xc: {  	[smem:$0x3FB1] =	sst s4  }
0xd: {  	[smem:$0x3FB2] =	sst s5  }
0xe: {  	[smem:$0x3FB3] =	sst s6  }
0xf: {  	[smem:$0x3FB4] =	sst s7  }
0x10: {  	[smem:$0x3FB5] =	sst s8  }
0x11: {  	[smem:$0x3FB6] =	sst s9;
	s0 =	simm.s32 @!p0 $0x0  }
0x12: {  	s1 =	sld [smem:$0x3F9C];
	s0 =	simm.s32 @p0 $0x1  }
0x13: {  	[smem:$0x3FB7] =	sst s0;
	s0 =	simm.s32 @!p1 $0x0  }
0x14: {  	s2 =	sld [smem:$0x3F9B];
	s0 =	simm.s32 @p1 $0x1  }
0x15: {  	[smem:$0x3FB8] =	sst s0;
	s0 =	simm.s32 @!p2 $0x0  }
0x16: {  	s3 =	sld [smem:$0x3FDB];
	s0 =	simm.s32 @p2 $0x1  }
0x17: {  	s4 =	simm.s32 $0x1BF5;
	[smem:$0x3FBA] =	sst s0  }
0x18: {  	s0 =	sld [smem:$0x3F9D];
	_ =	swait.ge [sflag:s4], $0x0  }
0x19: {  	s7 =	sld [smem:$0x3F9E]  }
0x1a: {  	s8 =	sadd.s32 $0xFFFFE003, lr  }
0x1b: {  	s9 =	sadd.s32 $0xFFFFFEF7, lr;
	s5 =	simm.s32 $0xFFFFFFFF;
	p2 =	slt.u32 s8, $0xFFFFF086  }
0x1c: {  	p1 =	slt.u32 s9, $0xF7A;
	s5 =	simm.s32 @!p2 $0x0  }
0x1d: {  	s5 =	simm.s32 @p1 $0x1;
	p0 =	seq.s32 s7, s2  }
0x1e: {  	s7 =	smul.u32 @!p0 $0xF7A, s2;
	p2 =	seq.s32 @!p0 s5, $0x0  }
0x1f: {  	s9 =	smul.u32 $0xF7A, s1;
	s8 =	simm.s32 @!p0 $0x1BF5;
	p2 =	por !p2, p0  }
0x20: {  	[sflag:s8] =	ssyncset.s32 @!p0 $0xFFFFF086;
	s6 =	sadd.s32 @!p0 s3, s7;
	s7 =	simm.s32 @!p0 $0x108  }
0x21: {  	s3 =	sadd.s32 s3, s9;
	s6 =	sadd.s32 @!p0 $0x88, s6;
	s7 =	simm.s32 @p2 $0x1082  }
0x22: {  	[simem:s7], [sflag:s8] =	dma.local @!p0 [hbm:s6], $0xF7A  }
0x23: {  	s9 =	sor.u32 $0xD0000000, s2;
	s6 =	simm.s32 $0x108;
	_ =	swait.ge @!p0 [sflag:s8], $0x0  }
0x24: {  	s3 =	sadd.s32 $0x88, s3;
	s6 =	simm.s32 @!p1 $0x1082;
	[sflag:s4] =	ssyncset.s32 $0xFFFFF086  }
0x25: {  	[simem:s6], [sflag:s4] =	dma.local [hbm:s3], $0xF7A  }
0x26: {  	[smem:$0x3F9E] =	sst s1;
	(tag) =	ssettag s2;
	_ =	strace s9  }
0x27: {  	s1 =	sld [smem:$0x3FAE]  }
0x28: {  	s2 =	sld [smem:$0x3FAF]  }
0x29: {  	s4 =	sld [smem:$0x3FB1]  }
0x2a: {  	p0 =	seq.s32 s5, $0x0;
	s5 =	sld [smem:$0x3FB2]  }
0x2b: {  	s6 =	sld [smem:$0x3FB3]  }
0x2c: {  	s7 =	sld [smem:$0x3FB4]  }
0x2d: {  	s3 =	simm.s32 $0x108;
	s8 =	sld [smem:$0x3FB5]  }
0x2e: {  	s3 =	simm.s32 @!p0 $0x1082;
	s9 =	sld [smem:$0x3FB6]  }
0x2f: {  	lr =	sadd.s32 s0, s3;
	s0 =	sld [smem:$0x3FAD]  }
0x30: {  	s3 =	sld [smem:$0x3FB0]  }
0x31: {  	[smem:$0x3FB9] =	sst s10  }
0x32: {  	s10 =	sld [smem:$0x3FB7];
	_ =	sdelay $0x3  }
0x33: {  	p0 =	seq.s32 s10, $0x1;
	s10 =	sld [smem:$0x3FB9];
	_ =	sdelay $0x3  }
0x34: {  	[smem:$0x3FB9] =	sst s10  }
0x35: {  	s10 =	sld [smem:$0x3FB8];
	_ =	sdelay $0x3  }
0x36: {  	p1 =	seq.s32 s10, $0x1;
	s10 =	sld [smem:$0x3FB9];
	_ =	sdelay $0x3  }
0x37: {  	[smem:$0x3FB9] =	sst s10  }
0x38: {  	s10 =	sld [smem:$0x3FBA]  }
0x39: {  	_ = 	snop;
	(pc) =	sbr.ind lr, $3  }
0x3a: {  	_ = 	snop  }
0x3b: {  	_ = 	snop  }
0x3c: {  	p2 =	seq.s32 s10, $0x1;
	s10 =	sld [smem:$0x3FB9]  }
0x3d: {  	_ =	shalt  }
0x3e: {  	_ =	shalt  }
0x3f: {  	_ =	shalt  }
0x40: {  	_ =	shalt  }
0x41: {  	_ =	shalt  }
0x42: {  	_ =	shalt  }
0x43: {  	_ =	shalt  }
0x44: {  	_ =	shalt  }
0x45: {  	_ =	shalt  }
0x46: {  	_ =	shalt  }
0x47: {  	_ =	shalt  }
0x48: {  	_ =	shalt  }
0x49: {  	_ =	shalt  }
0x4a: {  	_ =	shalt  }
0x4b: {  	_ =	shalt  }
0x4c: {  	_ =	shalt  }
0x4d: {  	_ =	shalt  }
0x4e: {  	_ =	shalt  }
0x4f: {  	_ =	shalt  }
0x50: {  	_ =	shalt  }
0x51: {  	_ =	shalt  }
0x52: {  	_ =	shalt  }
0x53: {  	_ =	shalt  }
0x54: {  	_ =	shalt  }
0x55: {  	_ =	shalt  }
0x56: {  	_ =	shalt  }
0x57: {  	_ =	shalt  }
0x58: {  	_ =	shalt  }
0x59: {  	_ =	shalt  }
0x5a: {  	_ =	shalt  }
0x5b: {  	_ =	shalt  }
0x5c: {  	_ =	shalt  }
0x5d: {  	_ =	shalt  }
0x5e: {  	_ =	shalt  }
0x5f: {  	_ =	shalt  }
0x60: {  	_ =	shalt  }
0x61: {  	_ =	shalt  }
0x62: {  	_ =	shalt  }
0x63: {  	_ =	shalt  }
0x64: {  	_ =	shalt  }
0x65: {  	_ =	shalt  }
0x66: {  	_ =	shalt  }
0x67: {  	_ =	shalt  }
0x68: {  	_ =	shalt  }
0x69: {  	_ =	shalt  }
0x6a: {  	_ =	shalt  }
0x6b: {  	_ =	shalt  }
0x6c: {  	_ =	shalt  }
0x6d: {  	_ =	shalt  }
0x6e: {  	_ =	shalt  }
0x6f: {  	_ =	shalt  }
0x70: {  	_ =	shalt  }
0x71: {  	_ =	shalt  }
0x72: {  	_ =	shalt  }
0x73: {  	_ =	shalt  }
0x74: {  	_ =	shalt  }
0x75: {  	_ =	shalt  }
0x76: {  	_ =	shalt  }
0x77: {  	_ =	shalt  }
0x78: {  	_ =	shalt  }
0x79: {  	_ =	shalt  }
0x7a: {  	_ =	shalt  }
0x7b: {  	_ =	shalt  }
0x7c: {  	_ =	shalt  }
0x7d: {  	_ =	shalt  }
0x7e: {  	_ =	shalt  }
0x7f: {  	_ =	shalt  }
0x80: {  	_ =	shalt  }
0x81: {  	_ =	shalt  }
0x82: {  	_ =	shalt  }
0x83: {  	_ =	shalt  }
0x84: {  	_ =	shalt  }
0x85: {  	_ =	shalt  }
0x86: {  	_ =	shalt  }
0x87: {  	_ =	shalt  }
.Lfunc_end0:
.L_simem_size_0:
called_computation.2_lowered:
.L_overlay_start_0:
0x88: {  	s2 =	sld [smem:$0x3FD9]  }
0x89: {  	s3 =	sld [smem:$0x3FFE];
	_ =	sdelay $0x1  }
0x8a: {  	s1 =	srdreg.scid  }
0x8b: {  	s0 =	sand.u32 $0x1, s1  }
0x8c: {  	s17 =	sshll.u32 s0, $0xA;
	s2 =	sadd.s32 s3, s2  }
0x8d: {  	s2 =	sadd.s32 s2, s17  }
0x8e: {  	[smem:$0x3FC5] =	sst s2  }
0x8f: {  	_ = 	snop  }
0x90: {  	s2 =	sld [smem:$0x3FC7];
	(tm) =	ssettm $0x1  }
0x91: {  	s18 =	sld [smem:$0x3FFB];
	_ =	sdelay $0x3  }
0x92: {  	_ =	strace s18  }
0x93: {  	s3 =	sld [smem:$0x3FFC];
	_ =	sdelay $0x3  }
0x94: {  	_ =	strace s3  }
0x95: {  	s3 =	sld [smem:$0x3FFD];
	_ =	sdelay $0x3  }
0x96: {  	_ =	strace s3  }
0x97: {  	_ =	strace $0x8FFFFFFF  }
0x98: {  	s19 =	sld [smem:$0x3FDB];
	_ =	sdelay $0x1  }
0x99: {  	s4 =	simm.s32 $_scs_section_size  }
0x9a: {  	s5 =	simm.s32 $_size__tile_overlayer_lowered;
	s6 =	simm.s32 $_tile_overlayer_lowered  }
0x9b: {  	s22 =	simm.s32 $0x1BFF;
	s21 =	sshll.u32 s6, $0x1;
	s3 =	sadd.s32 s4, s19  }
0x9c: {  	s7 =	simm.s32 $0x0;
	s20 =	sshll.u32 s5, $0x1;
	s5 =	sadd.s32 s21, s3  }
0x9d: {  	[timem:s7], [sflag:s22] =	dma.local [hbm:s5], s20  }
0x9e: {  	_ =	swait.ge [sflag:s22], s20  }
0x9f: {  	s4 =	ssub.s32 $0x0, s20;
	[sflag:s22] =	ssyncset.done $0x0  }
0xa0: {  	[sflag:s22] =	ssyncadd.s32 s4;
	_ =	sdelay $0x1  }
0xa1: {  	s23 =	simm.s32 $0x1B8B  }
0xa2: {  	_ =	swait.ge [sflag:s23], $0x1  }
0xa3: {  	[sflag:s23] =	ssyncset.done $0x0  }
0xa4: {  	s25 =	simm.s32 $0x1B8E;
	s24 =	sld [smem:$0x3FFE];
	[sflag:s23] =	ssyncadd.s32 $0xFFFFFFFF  }
0xa5: {  	s26 =	simm.s32 $execute0_lowered;
	[smem:$0x3FD2] =	sst s25  }
0xa6: {  	s5 =	sshll.u32 s26, $0x1;
	_ =	strace $0x8000004C;
	[dreg:$0x1] =	wrdreg $0xFFFFFFFF  }
0xa7: {  	s28 =	simm.s32 $_size_execute0_lowered;
	s3 =	sadd.s32 s3, s5;
	[dreg:$0x0] =	wrdreg $0x0  }
0xa8: {  	s5 =	sshll.u32 s28, $0x1;
	[dreg:$0x2] =	wrdreg s3  }
0xa9: {  	[dreg:$0x3] =	wrdreg s5  }
0xaa: {  	[dreg:$0x4] =	wrdreg $0xC0  }
0xab: {  	_ =	task [dreg:s7], $0x5FFFF  }
0xac: {  	[dreg:$0x1] =	wrdreg $0xFFFFFFFF  }
0xad: {  	[dreg:$0x0] =	wrdreg $0x60  }
0xae: {  	[dreg:$0x2] =	wrdreg s2  }
0xaf: {  	[dreg:$0x3] =	wrdreg s24  }
0xb0: {  	[dreg:$0x4] =	wrdreg $0x9  }
0xb1: {  	_ =	task.clear_ibuf [dreg:s7], $0x5FFFF;
	_ =	strace $0x9000004C  }
0xb2: {  	s29 =	simm.s32 $0x9;
	_ =	strace $0x8000004E  }
0xb3: {  	_ =	swait.ge [sflag:s29], $0x1  }
0xb4: {  	[sflag:s29] =	ssyncadd.s32 $0xFFFFFFFF  }
0xb5: {  	_ =	strace $0x9000004E  }
0xb6: {  	_ =	sfence  }
0xb7: {  	s30 =	sld [smem:$0x0];
	_ =	sdelay $0x2  }
0xb8: {  	s31 =	sshll.u32 s1, $0xD;
	s1 =	sshrl.u32 s1, $0x2  }
0xb9: {  	s3 =	sand.u32 $0x4000, s31;
	s1 =	sadd.s32 s1, s30  }
0xba: {  	s0 =	sor.u32 s3, s0;
	s1 =	sshll.u32 s1, $0x11  }
0xbb: {  	s0 =	sor.u32 s1, s0  }
0xbc: {  	s0 =	sadd.s32 $0x8F2B, s0  }
0xbd: {  	[sflag:s0] =	ssyncadd.remote.s32 $0x1  }
0xbe: {  	_ =	sfence.sel $0xFFFF  }
0xbf: {  	[dreg:$0x0] =	wrdreg $0xFFFFFFFF;
	(pc) =	sbr.abs _section_cstart, $3  }
0xc0: {  	[dreg:$0x1] =	wrdreg $0xFFFFFFFF  }
0xc1: {  	_ =	task.clear_ibuf [dreg:s7], $0x2FFFF;
	_ =	strace $0x9FFFFFFF  }
0xc2: {  	(tm) =	ssettm $0x7FFFFFFF  }
0xc3: {  	_ =	shalt  }
tec
execute0_lowered:
.L_overlay_start_1:
0x0: {  	(tag) =	ssettag $0x1  }
0x1: {  	s2 =	rddreg [dreg:$0x0]  }
0x2: {  	s7 =	rddreg [dreg:$0x1]  }
0x3: {  	s0 =	rddreg [dreg:$0x2]  }
0x4: {  	s1 =	srdreg.scid;
	_ =	strace $0x8000004D;
	s4 =	simm.s32 $0x1  }
0x5: {  	s9 =	simm.s32 $0x3;
	s12 =	simm.s32 $0x0;
	s5 =	sshll.u32 s1, $0x4  }
.Ltmp0:
0x6: {  	s1 =	stileid.u32;
	s5 =	sand.u32 $0x10, s5;
	(pc) =	sbr.rel .LBB2_1-.Ltmp0, $4  }
0x7: {  	s10 =	simm.s32 $0x0;
	s3 =	sadd.s32 $0xA00, s7;
	s6 =	sor.u32 s1, s5  }
0x8: {  	[sflag:s4] =	ssyncpa.u1 $0x0;
	s5 =	simm.s32 $0x2;
	s6 =	sshll.u32 s6, $0x6  }
0x9: {  	s7 =	sadd.s32 $0xC2600, s7;
	[sflag:s5] =	ssyncpa.u1 $0x0;
	s8 =	sadd.s32 $0x40, s6  }
0xa: {  	vm0 =	vmmov $0xff;
	vm1 =	vcmask $0x3F20;
	[sflag:s9] =	ssyncpa.u1 $0x0;
	s9 =	simm.s32 $0x40;
	s11 =	smov.u32 s6  }
.LBB2_10:
0xb: {  	[hbm:s16] =	stream.linear.scatter [tilespmem:s13], [sflag:$0x3], $0x800, $0x38;
	[tilespmem:$0x8080] =	vst v63  }
.LBB2_11:
0xc: {  	p0 =	seq.s32 s10, $0x2  }
.Ltmp1:
0xd: {  	_ = 	snop;
	(pc) =	sbr.rel @p0 .LBB2_13-.Ltmp1, $1  }
0xe: {  	_ =	sdelay $0x3  }
.LBB2_12:
0xf: {  	s12 =	sadd.s32 $0x40, s11  }
0x10: {  	s13 =	smov.u32 s6;
	p0 =	slt.s32 s12, s8  }
0x11: {  	s13 =	smov.u32 @p0 s12  }
0x12: {  	s10 =	sadd.s32 $0x1, s10;
	s12 =	smov.u32 s11;
	s11 =	smov.u32 s13  }
.LBB2_1:
0x13: {  	p0 =	sne.s32 s10, $0x0  }
.Ltmp2:
0x14: {  	_ = 	snop;
	(pc) =	sbr.rel @!p0 .LBB2_2-.Ltmp2, $1  }
0x15: {  	_ =	sdelay $0x3  }
0x16: {  	s13 =	sand.u32 $0x1, s10  }
0x17: {  	p0 =	seq.s32 s13, $0x0  }
.Ltmp3:
0x18: {  	_ = 	snop;
	(pc) =	sbr.rel @p0 .LBB2_11-.Ltmp3, $1  }
0x19: {  	_ =	sdelay $0x3  }
0x1a: {  	_ =	swait.ge [sflag:s5], $0x40  }
0x1b: {  	[sflag:s5] =	ssyncset.done $0x0  }
0x1c: {  	s13 =	simm.s32 $0x0;
	[sflag:s5] =	ssyncadd.s32 $0xFFFFFFC0  }
.LBB2_5:
0x1d: {  	s14 =	sshll.u32 s13, $0x4  }
0x1e: {  	s14 =	sand.u32 $0x3FFFFFF0, s14  }
0x1f: {  	v0 =	vld.msk [tilespmem:s14+$0x40 ss:$0x1], $0xffff;
	_ =	sdelay $0x4  }
0x20: {  	vm2 =	vgt.s32 v0, $0x0  }
0x21: {  	v0 =	vnsel vm2, $0x0, v0  }
0x22: {  	v0 =	vmin.u32 v0, $0x1FFF  }
0x23: {  	s31 =	sshll.u32 s13, $0xC;
	v1 =	vshll.u32 v0, $0x5;
	v0 =	vshll.u32 v0, $0x4  }
0x24: {  	s14 =	sand.u32 $0x3FFFF000, s31;
	v1 =	vand.u32 $0x3FF00, v1;
	v0 =	vand.u32 $0x70, v0  }
0x25: {  	p0 =	por $0x1, $0x1;
	s15 =	simm.s32 $0x0;
	s14 =	sadd.s32 $0x4080, s14;
	v0 =	vor.u32 v0, v1  }
.LBB2_6:
0x26: {  	_ =	sdelay $0x1  }
0x27: {  	s15 =	sshra.s32 s15, $0x2;
	p1 =	por p0, p0  }
.Ltmp4:
0x28: {  	s15 =	sadd.s32 s15, s14;
	(pc) =	sbr.rel @p1 .LBB2_6-.Ltmp4, $4  }
0x29: {  	[tilespmem:s15], [sflag:$0x1] =	stream.indirect_vreg.gather [hbm:s2], $0x80, v0, vm0, $0x38;
	[tilespmem:$0x8080] =	vst v63  }
0x2a: {  	s15 =	sadd.s32 $0x800, s15  }
0x2b: {  	[tilespmem:s15], [sflag:$0x1] =	stream.indirect_vreg.gather [hbm:s2], $0x80, v0, vm1, $0x38;
	[tilespmem:$0x8080] =	vst v63  }
0x2c: {  	p0 =	por $0x0, $0x0;
	v0 =	vadd.s32 $0x80, v0;
	s15 =	simm.s32 $0x1000  }
0x2d: {  	s13 =	sadd.s32 $0x1, s13  }
0x2e: {  	p0 =	sne.s32 s13, $0x4  }
.Ltmp5:
0x2f: {  	_ = 	snop;
	(pc) =	sbr.rel @p0 .LBB2_5-.Ltmp5, $1  }
0x30: {  	_ =	sdelay $0x3  }
0x31: {  	s13 =	sshll.u32 s12, $0x5  }
0x32: {  	_ =	swait.ge [sflag:s4], $0x4000;
	s31 =	sshll.u32 s12, $0x4;
	s13 =	sand.u32 $0xFFFFFF00, s13  }
0x33: {  	s14 =	simm.s32 $0x100;
	s12 =	sand.u32 $0x70, s31;
	s13 =	sadd.s32 s13, s7  }
0x34: {  	s15 =	simm.s32 $0x4880;
	[sflag:s4] =	ssyncset.done $0x0;
	s12 =	sadd.s32 s12, s13  }
0x35: {  	[sflag:s4] =	ssyncadd.s32 $0xFFFFC000;
	s13 =	simm.s32 $0x4080;
	s16 =	sadd.s32 $0x0, s12  }
.LBB2_9:
0x36: {  	[hbm:s16] =	stream.linear.scatter [tilespmem:s13], [sflag:$0x3], $0x800, $0x38;
	[tilespmem:$0x8080] =	vst v63  }
0x37: {  	s16 =	smov.u32 s14;
	s13 =	smov.u32 s15;
	p0 =	sne.s32 s14, $0x700  }
.Ltmp6:
0x38: {  	s14 =	sadd.s32 $0x100, s14;
	(pc) =	sbr.rel @p0 .LBB2_9-.Ltmp6, $2  }
0x39: {  	_ =	sdelay $0x2  }
0x3a: {  	s15 =	sadd.s32 $0x800, s15;
	s16 =	sadd.s32 s16, s12  }
.Ltmp7:
0x3b: {  	_ = 	snop;
	(pc) =	sbr.rel .LBB2_10-.Ltmp7, $1  }
0x3c: {  	_ =	sdelay $0x3  }
.LBB2_2:
.Ltmp8:
0x3d: {  	(pc) =	sbr.rel .LBB2_12-.Ltmp8, $4  }
0x3e: {  	_ = 	snop  }
0x3f: {  	s12 =	sshrl.u32 s11, $0x3  }
0x40: {  	s13 =	sand.u32 $0x7, s11;
	s12 =	sadd.s32 s3, s12  }
0x41: {  	[tilespmem:s9], [sflag:$0x2] =	stream.linear.gather [hbm4b:s12+s13], $0x40, $0x38;
	[tilespmem:$0x8080] =	vst v63  }
.LBB2_13:
0x42: {  	s2 =	simm.s32 $0x3  }
0x43: {  	_ =	swait.ge [sflag:s2], $0x4000  }
0x44: {  	[sflag:s2] =	ssyncset.done $0x0  }
0x45: {  	[sflag:s2] =	ssyncadd.s32 $0xFFFFC000  }
0x46: {  	_ =	sfence.sel $0x180000  }
0x47: {  	s3 =	simm.s32 $0x2;
	[bflag:$0x0] =	sbarrier.arrive $0xFFFF  }
0x48: {  	[sflag:s3] =	ssyncpa.u1 $0x1  }
0x49: {  	s31 =	simm.s32 $0x1;
	[sflag:s2] =	ssyncpa.u1 $0x1  }
0x4a: {  	[sflag:s31] =	ssyncpa.u1 $0x1  }
0x4b: {  	p0 =	sne.s32 s1, $0x0;
	_ =	strace $0x9000004D  }
0x4c: {  	s0 =	sadd.s32 @!p0 $0x100000, s0;
	[bflag:$0x2] =	sbarrier.arrive $0xFFFF  }
0x4d: {  	[sflag:s0] =	ssyncadd.tile.s32 @!p0 $0x1;
	_ =	shalt  }
.Lfunc_end2:
_tile_overlayer_lowered:
.L_overlay_start_2:
0x4e: {  	(tag) =	ssettag $0x2  }
0x4f: {  	s0 =	rddreg [dreg:$0x0];
	s2 =	stileid.u32  }
0x50: {  	s1 =	rddreg [dreg:$0x1];
	p0 =	sne.s32 s2, $0x0  }
0x51: {  	s3 =	rddreg [dreg:$0x2];
	[bflag:$0x3] =	sbarrier.arrive $0xFFFF;
	s2 =	simm.s32 @!p0 $0x1C01  }
0x52: {  	[timem:s3], [sflag:s2] =	dma.local @!p0 [hbm:s0], s1  }
0x53: {  	s0 =	simm.s32 @!p0 $0x1  }
0x54: {  	_ =	swait.ge @!p0 [sflag:s0], s1  }
0x55: {  	s1 =	ssub.s32 @!p0 $0x0, s1;
	[sflag:s0] =	ssyncset.done @!p0 $0x0  }
0x56: {  	[sflag:s0] =	ssyncadd.s32 @!p0 s1  }
0x57: {  	[bflag:$0x3] =	sbarrier.arrive $0xFFFF  }
0x58: {  	_ =	shalt  }

// kernel: gather_offload_async_start
scs
__scs_entry_jumppad:
0x0: {  	(pc) =	sbr.rel $0x88, $3  }
0x1: {  	(tag) =	ssettag $0x0;
	lr =	simm.s32 $0x1  }
0x2: {  	[smem:$0x3F9E] =	sst lr;
	_ =	strace $0xD0000000  }
0x3: {  	_ = 	snop  }
0x4: {  	_ = 	snop  }
0x5: {  	_ = 	snop  }
0x6: {  	_ = 	snop  }
0x7: {  	_ = 	snop  }
__scs_overlays_trampoline_lowered:
0x8: {  	[smem:$0x3FAD] =	sst s0  }
0x9: {  	[smem:$0x3FAE] =	sst s1  }
0xa: {  	[smem:$0x3FAF] =	sst s2  }
0xb: {  	[smem:$0x3FB0] =	sst s3  }
0xc: {  	[smem:$0x3FB1] =	sst s4  }
0xd: {  	[smem:$0x3FB2] =	sst s5  }
0xe: {  	[smem:$0x3FB3] =	sst s6  }
0xf: {  	[smem:$0x3FB4] =	sst s7  }
0x10: {  	[smem:$0x3FB5] =	sst s8  }
0x11: {  	[smem:$0x3FB6] =	sst s9;
	s0 =	simm.s32 @!p0 $0x0  }
0x12: {  	s1 =	sld [smem:$0x3F9C];
	s0 =	simm.s32 @p0 $0x1  }
0x13: {  	[smem:$0x3FB7] =	sst s0;
	s0 =	simm.s32 @!p1 $0x0  }
0x14: {  	s2 =	sld [smem:$0x3F9B];
	s0 =	simm.s32 @p1 $0x1  }
0x15: {  	[smem:$0x3FB8] =	sst s0;
	s0 =	simm.s32 @!p2 $0x0  }
0x16: {  	s3 =	sld [smem:$0x3FDB];
	s0 =	simm.s32 @p2 $0x1  }
0x17: {  	s4 =	simm.s32 $0x1BF5;
	[smem:$0x3FBA] =	sst s0  }
0x18: {  	s0 =	sld [smem:$0x3F9D];
	_ =	swait.ge [sflag:s4], $0x0  }
0x19: {  	s7 =	sld [smem:$0x3F9E]  }
0x1a: {  	s8 =	sadd.s32 $0xFFFFE003, lr  }
0x1b: {  	s9 =	sadd.s32 $0xFFFFFEF7, lr;
	s5 =	simm.s32 $0xFFFFFFFF;
	p2 =	slt.u32 s8, $0xFFFFF086  }
0x1c: {  	p1 =	slt.u32 s9, $0xF7A;
	s5 =	simm.s32 @!p2 $0x0  }
0x1d: {  	s5 =	simm.s32 @p1 $0x1;
	p0 =	seq.s32 s7, s2  }
0x1e: {  	s7 =	smul.u32 @!p0 $0xF7A, s2;
	p2 =	seq.s32 @!p0 s5, $0x0  }
0x1f: {  	s9 =	smul.u32 $0xF7A, s1;
	s8 =	simm.s32 @!p0 $0x1BF5;
	p2 =	por !p2, p0  }
0x20: {  	[sflag:s8] =	ssyncset.s32 @!p0 $0xFFFFF086;
	s6 =	sadd.s32 @!p0 s3, s7;
	s7 =	simm.s32 @!p0 $0x108  }
0x21: {  	s3 =	sadd.s32 s3, s9;
	s6 =	sadd.s32 @!p0 $0x88, s6;
	s7 =	simm.s32 @p2 $0x1082  }
0x22: {  	[simem:s7], [sflag:s8] =	dma.local @!p0 [hbm:s6], $0xF7A  }
0x23: {  	s9 =	sor.u32 $0xD0000000, s2;
	s6 =	simm.s32 $0x108;
	_ =	swait.ge @!p0 [sflag:s8], $0x0  }
0x24: {  	s3 =	sadd.s32 $0x88, s3;
	s6 =	simm.s32 @!p1 $0x1082;
	[sflag:s4] =	ssyncset.s32 $0xFFFFF086  }
0x25: {  	[simem:s6], [sflag:s4] =	dma.local [hbm:s3], $0xF7A  }
0x26: {  	[smem:$0x3F9E] =	sst s1;
	(tag) =	ssettag s2;
	_ =	strace s9  }
0x27: {  	s1 =	sld [smem:$0x3FAE]  }
0x28: {  	s2 =	sld [smem:$0x3FAF]  }
0x29: {  	s4 =	sld [smem:$0x3FB1]  }
0x2a: {  	p0 =	seq.s32 s5, $0x0;
	s5 =	sld [smem:$0x3FB2]  }
0x2b: {  	s6 =	sld [smem:$0x3FB3]  }
0x2c: {  	s7 =	sld [smem:$0x3FB4]  }
0x2d: {  	s3 =	simm.s32 $0x108;
	s8 =	sld [smem:$0x3FB5]  }
0x2e: {  	s3 =	simm.s32 @!p0 $0x1082;
	s9 =	sld [smem:$0x3FB6]  }
0x2f: {  	lr =	sadd.s32 s0, s3;
	s0 =	sld [smem:$0x3FAD]  }
0x30: {  	s3 =	sld [smem:$0x3FB0]  }
0x31: {  	[smem:$0x3FB9] =	sst s10  }
0x32: {  	s10 =	sld [smem:$0x3FB7];
	_ =	sdelay $0x3  }
0x33: {  	p0 =	seq.s32 s10, $0x1;
	s10 =	sld [smem:$0x3FB9];
	_ =	sdelay $0x3  }
0x34: {  	[smem:$0x3FB9] =	sst s10  }
0x35: {  	s10 =	sld [smem:$0x3FB8];
	_ =	sdelay $0x3  }
0x36: {  	p1 =	seq.s32 s10, $0x1;
	s10 =	sld [smem:$0x3FB9];
	_ =	sdelay $0x3  }
0x37: {  	[smem:$0x3FB9] =	sst s10  }
0x38: {  	s10 =	sld [smem:$0x3FBA]  }
0x39: {  	_ = 	snop;
	(pc) =	sbr.ind lr, $3  }
0x3a: {  	_ = 	snop  }
0x3b: {  	_ = 	snop  }
0x3c: {  	p2 =	seq.s32 s10, $0x1;
	s10 =	sld [smem:$0x3FB9]  }
0x3d: {  	_ =	shalt  }
0x3e: {  	_ =	shalt  }
0x3f: {  	_ =	shalt  }
0x40: {  	_ =	shalt  }
0x41: {  	_ =	shalt  }
0x42: {  	_ =	shalt  }
0x43: {  	_ =	shalt  }
0x44: {  	_ =	shalt  }
0x45: {  	_ =	shalt  }
0x46: {  	_ =	shalt  }
0x47: {  	_ =	shalt  }
0x48: {  	_ =	shalt  }
0x49: {  	_ =	shalt  }
0x4a: {  	_ =	shalt  }
0x4b: {  	_ =	shalt  }
0x4c: {  	_ =	shalt  }
0x4d: {  	_ =	shalt  }
0x4e: {  	_ =	shalt  }
0x4f: {  	_ =	shalt  }
0x50: {  	_ =	shalt  }
0x51: {  	_ =	shalt  }
0x52: {  	_ =	shalt  }
0x53: {  	_ =	shalt  }
0x54: {  	_ =	shalt  }
0x55: {  	_ =	shalt  }
0x56: {  	_ =	shalt  }
0x57: {  	_ =	shalt  }
0x58: {  	_ =	shalt  }
0x59: {  	_ =	shalt  }
0x5a: {  	_ =	shalt  }
0x5b: {  	_ =	shalt  }
0x5c: {  	_ =	shalt  }
0x5d: {  	_ =	shalt  }
0x5e: {  	_ =	shalt  }
0x5f: {  	_ =	shalt  }
0x60: {  	_ =	shalt  }
0x61: {  	_ =	shalt  }
0x62: {  	_ =	shalt  }
0x63: {  	_ =	shalt  }
0x64: {  	_ =	shalt  }
0x65: {  	_ =	shalt  }
0x66: {  	_ =	shalt  }
0x67: {  	_ =	shalt  }
0x68: {  	_ =	shalt  }
0x69: {  	_ =	shalt  }
0x6a: {  	_ =	shalt  }
0x6b: {  	_ =	shalt  }
0x6c: {  	_ =	shalt  }
0x6d: {  	_ =	shalt  }
0x6e: {  	_ =	shalt  }
0x6f: {  	_ =	shalt  }
0x70: {  	_ =	shalt  }
0x71: {  	_ =	shalt  }
0x72: {  	_ =	shalt  }
0x73: {  	_ =	shalt  }
0x74: {  	_ =	shalt  }
0x75: {  	_ =	shalt  }
0x76: {  	_ =	shalt  }
0x77: {  	_ =	shalt  }
0x78: {  	_ =	shalt  }
0x79: {  	_ =	shalt  }
0x7a: {  	_ =	shalt  }
0x7b: {  	_ =	shalt  }
0x7c: {  	_ =	shalt  }
0x7d: {  	_ =	shalt  }
0x7e: {  	_ =	shalt  }
0x7f: {  	_ =	shalt  }
0x80: {  	_ =	shalt  }
0x81: {  	_ =	shalt  }
0x82: {  	_ =	shalt  }
0x83: {  	_ =	shalt  }
0x84: {  	_ =	shalt  }
0x85: {  	_ =	shalt  }
0x86: {  	_ =	shalt  }
0x87: {  	_ =	shalt  }
.Lfunc_end0:
.L_simem_size_0:
called_computation_lowered:
.L_overlay_start_0:
0x88: {  	s2 =	sld [smem:$0x3FD9]  }
0x89: {  	s3 =	sld [smem:$0x3FFE];
	_ =	sdelay $0x1  }
0x8a: {  	s1 =	srdreg.scid  }
0x8b: {  	s0 =	sand.u32 $0x1, s1  }
0x8c: {  	s14 =	sshll.u32 s0, $0xA;
	s2 =	sadd.s32 s3, s2  }
0x8d: {  	s2 =	sadd.s32 s2, s14  }
0x8e: {  	[smem:$0x3FC5] =	sst s2  }
0x8f: {  	_ = 	snop  }
0x90: {  	s2 =	sld [smem:$0x3FD0];
	_ =	sdelay $0x2  }
0x91: {  	s4 =	simm.s32 $0xA;
	s5 =	simm.s32 $0x10;
	s15 =	sld [smem:$0x3FC7]  }
0x92: {  	[smem:s5], [sflag:s4] =	dma.local [hbm:s2], $0x1  }
0x93: {  	_ =	swait.eq [sflag:s4], $0x1  }
0x94: {  	[sflag:s4] =	ssyncset.done $0x0  }
0x95: {  	[sflag:s4] =	ssyncadd.s32 $0xFFFFFFFF  }
0x96: {  	s16 =	sld [smem:$0x10];
	(tm) =	ssettm $0x1  }
0x97: {  	s17 =	sld [smem:$0x3FFB];
	_ =	sdelay $0x3  }
0x98: {  	_ =	strace s17  }
0x99: {  	s4 =	sld [smem:$0x3FFC];
	_ =	sdelay $0x3  }
0x9a: {  	_ =	strace s4  }
0x9b: {  	s4 =	sld [smem:$0x3FFD];
	_ =	sdelay $0x3  }
0x9c: {  	_ =	strace s4  }
0x9d: {  	_ =	strace $0x8FFFFFFF  }
0x9e: {  	s18 =	sld [smem:$0x3FDB];
	_ =	sdelay $0x1  }
0x9f: {  	s19 =	simm.s32 $_scs_section_size  }
0xa0: {  	s6 =	simm.s32 $_size__tile_overlayer_lowered;
	s7 =	simm.s32 $_tile_overlayer_lowered  }
0xa1: {  	s22 =	simm.s32 $0x1BFF;
	s21 =	sshll.u32 s7, $0x1;
	s4 =	sadd.s32 s19, s18  }
0xa2: {  	s8 =	simm.s32 $0x0;
	s20 =	sshll.u32 s6, $0x1;
	s6 =	sadd.s32 s21, s4  }
0xa3: {  	[timem:s8], [sflag:s22] =	dma.local [hbm:s6], s20  }
0xa4: {  	_ =	swait.ge [sflag:s22], s20  }
0xa5: {  	s5 =	ssub.s32 $0x0, s20;
	[sflag:s22] =	ssyncset.done $0x0  }
0xa6: {  	[sflag:s22] =	ssyncadd.s32 s5;
	_ =	sdelay $0x1  }
0xa7: {  	s23 =	simm.s32 $0x1B8B  }
0xa8: {  	_ =	swait.ge [sflag:s23], $0x1  }
0xa9: {  	[sflag:s23] =	ssyncset.done $0x0  }
0xaa: {  	s25 =	simm.s32 $0x1B8E;
	s24 =	sld [smem:$0x3FFE];
	[sflag:s23] =	ssyncadd.s32 $0xFFFFFFFF  }
0xab: {  	s26 =	simm.s32 $execute0_lowered;
	[smem:$0x3FD2] =	sst s25  }
0xac: {  	s6 =	sshll.u32 s26, $0x1;
	_ =	strace $0x80000046;
	[dreg:$0x1] =	wrdreg $0xFFFFFFFF  }
0xad: {  	s28 =	simm.s32 $_size_execute0_lowered;
	s4 =	sadd.s32 s4, s6;
	[dreg:$0x0] =	wrdreg $0x0  }
0xae: {  	s6 =	sshll.u32 s28, $0x1;
	[dreg:$0x2] =	wrdreg s4  }
0xaf: {  	[dreg:$0x3] =	wrdreg s6  }
0xb0: {  	[dreg:$0x4] =	wrdreg $0xC0  }
0xb1: {  	_ =	task [dreg:s8], $0x5FFFF  }
0xb2: {  	[dreg:$0x1] =	wrdreg $0xFFFFFFFF  }
0xb3: {  	[dreg:$0x0] =	wrdreg $0x60  }
0xb4: {  	[dreg:$0x2] =	wrdreg s15  }
0xb5: {  	[dreg:$0x3] =	wrdreg s24  }
0xb6: {  	[dreg:$0x4] =	wrdreg s16  }
0xb7: {  	[dreg:$0x5] =	wrdreg $0x9  }
0xb8: {  	_ =	task.clear_ibuf [dreg:s8], $0x6FFFF;
	_ =	strace $0x90000046  }
0xb9: {  	s29 =	simm.s32 $0x9;
	_ =	strace $0x80000048  }
0xba: {  	_ =	swait.ge [sflag:s29], $0x1  }
0xbb: {  	[sflag:s29] =	ssyncadd.s32 $0xFFFFFFFF  }
0xbc: {  	_ =	strace $0x90000048  }
0xbd: {  	_ =	sfence  }
0xbe: {  	s30 =	sld [smem:$0x0];
	_ =	sdelay $0x2  }
0xbf: {  	s31 =	sshll.u32 s1, $0xD;
	s1 =	sshrl.u32 s1, $0x2  }
0xc0: {  	s3 =	sand.u32 $0x4000, s31;
	s1 =	sadd.s32 s1, s30  }
0xc1: {  	s0 =	sor.u32 s3, s0;
	s1 =	sshll.u32 s1, $0x11  }
0xc2: {  	s0 =	sor.u32 s1, s0  }
0xc3: {  	s0 =	sadd.s32 $0x8F2B, s0  }
0xc4: {  	[sflag:s0] =	ssyncadd.remote.s32 $0x1  }
0xc5: {  	_ =	sfence.sel $0xFFFF  }
0xc6: {  	[dreg:$0x0] =	wrdreg $0xFFFFFFFF;
	(pc) =	sbr.abs _section_cstart, $3  }
0xc7: {  	[dreg:$0x1] =	wrdreg $0xFFFFFFFF  }
0xc8: {  	_ =	task.clear_ibuf [dreg:s8], $0x2FFFF;
	_ =	strace $0x9FFFFFFF  }
0xc9: {  	(tm) =	ssettm $0x7FFFFFFF  }
tec
execute0_lowered:
.L_overlay_start_1:
0x0: {  	(tag) =	ssettag $0x1  }
0x1: {  	s2 =	rddreg [dreg:$0x0]  }
0x2: {  	s7 =	rddreg [dreg:$0x1]  }
0x3: {  	s3 =	rddreg [dreg:$0x2]  }
0x4: {  	s0 =	rddreg [dreg:$0x3];
	s1 =	srdreg.scid;
	_ =	strace $0x80000047  }
0x5: {  	s4 =	simm.s32 $0x1;
	s9 =	simm.s32 $0x3;
	s5 =	sshll.u32 s1, $0x4  }
.Ltmp0:
0x6: {  	s1 =	stileid.u32;
	s5 =	sand.u32 $0x10, s5;
	(pc) =	sbr.rel .LBB2_1-.Ltmp0, $4  }
0x7: {  	s11 =	simm.s32 $0x0;
	p0 =	por $0x0, $0x0;
	s6 =	sor.u32 s1, s5  }
0x8: {  	[sflag:s4] =	ssyncpa.u1 $0x0;
	s5 =	simm.s32 $0x2;
	s6 =	sshll.u32 s6, $0x8  }
0x9: {  	s7 =	sadd.s32 $0x600, s7;
	[sflag:s5] =	ssyncpa.u1 $0x0;
	s8 =	sadd.s32 $0x100, s6  }
0xa: {  	vm0 =	vmmov $0xff;
	vm1 =	vcmask $0x3F20;
	[sflag:s9] =	ssyncpa.u1 $0x0;
	s10 =	smov.u32 s6;
	s9 =	simm.s32 $0x0  }
.LBB2_8:
0xb: {  	[hbm:s15] =	stream.linear.scatter [tilespmem:s12], [sflag:$0x3], $0x800, $0x38;
	[tilespmem:$0x10100] =	vst v63  }
.LBB2_9:
0xc: {  	p1 =	slt.u32 s9, $0x2;
	s11 =	sadd.s32 $0x80, s10  }
0xd: {  	s13 =	smov.u32 s6;
	s9 =	sadd.s32 $0x1, s9;
	p2 =	slt.s32 s11, s8  }
0xe: {  	s13 =	smov.u32 @p2 s11;
	p2 =	sne.s32 s9, $0x4  }
.Ltmp1:
0xf: {  	_ = 	snop;
	(pc) =	sbr.rel @!p2 .LBB2_10-.Ltmp1, $4  }
0x10: {  	s12 =	simm.s32 @!p1 $0x3  }
0x11: {  	_ =	swait.ge @!p1 [sflag:s12], $0x8000  }
0x12: {  	p0 =	por !p0, !p0;
	[sflag:s12] =	ssyncset.done @!p1 $0x0  }
0x13: {  	s11 =	smov.u32 s10;
	s10 =	smov.u32 s13;
	[sflag:s12] =	ssyncadd.s32 @!p1 $0xFFFF8000  }
.LBB2_1:
0x14: {  	p1 =	sgt.u32 s9, $0x1  }
0x15: {  	s12 =	sshll.u32 @!p1 s9, $0x7;
	s13 =	sshrl.u32 @!p1 s10, $0x3  }
0x16: {  	s14 =	sand.u32 @!p1 $0x7, s10;
	s12 =	sxor.u32 @!p1 $0x80, s12;
	s13 =	sadd.s32 @!p1 s7, s13  }
0x17: {  	[tilespmem:s12], [sflag:$0x2] =	stream.linear.gather @!p1 [hbm4b:s13+s14], $0x80, $0x38;
	[tilespmem:$0x10100] =	vst v63  }
0x18: {  	p1 =	seq.s32 s9, $0x0  }
0x19: {  	p2 =	seq.s32 @!p1 s9, $0x3  }
0x1a: {  	p1 =	por p1, p2  }
.Ltmp2:
0x1b: {  	_ = 	snop;
	(pc) =	sbr.rel @p1 .LBB2_9-.Ltmp2, $1  }
0x1c: {  	_ =	sdelay $0x3  }
0x1d: {  	s12 =	simm.s32 $0x1;
	_ =	swait.ge [sflag:s5], $0x80;
	s13 =	sand.u32 $0x1, s9  }
0x1e: {  	s15 =	simm.s32 $0x0;
	s12 =	simm.s32 @!p0 $0x0;
	[sflag:s5] =	ssyncset.done $0x0  }
0x1f: {  	s14 =	sshll.u32 s13, $0xF;
	s13 =	sshll.u32 s13, $0x7;
	s12 =	sshll.u32 s12, $0xF  }
0x20: {  	[sflag:s5] =	ssyncadd.s32 $0xFFFFFF80;
	s14 =	sor.u32 $0x100, s14;
	s12 =	sor.u32 $0x100, s12  }
.LBB2_3:
0x21: {  	s16 =	sshll.u32 s15, $0x4  }
0x22: {  	s16 =	sand.u32 $0x3FFFFFF0, s16  }
0x23: {  	s16 =	sadd.s32 s16, s13  }
0x24: {  	v0 =	vld.msk [tilespmem:s16+$0x0 ss:$0x1], $0xffff;
	_ =	sdelay $0x4  }
0x25: {  	vm2 =	vgt.s32 v0, $0x0  }
0x26: {  	v0 =	vnsel vm2, $0x0, v0  }
0x27: {  	v0 =	vmin.u32 v0, $0x1FFF  }
0x28: {  	s31 =	sshll.u32 s15, $0xC;
	v1 =	vshll.u32 v0, $0x5;
	v0 =	vshll.u32 v0, $0x4  }
0x29: {  	s16 =	sand.u32 $0x3FFFF000, s31;
	v1 =	vand.u32 $0x3FF00, v1;
	v0 =	vand.u32 $0x70, v0  }
0x2a: {  	p1 =	por $0x1, $0x1;
	s17 =	simm.s32 $0x0;
	s16 =	sadd.s32 s16, s14;
	v0 =	vor.u32 v0, v1  }
.LBB2_4:
0x2b: {  	_ =	sdelay $0x1  }
0x2c: {  	s17 =	sshra.s32 s17, $0x2;
	p2 =	por p1, p1  }
.Ltmp3:
0x2d: {  	s17 =	sadd.s32 s17, s16;
	(pc) =	sbr.rel @p2 .LBB2_4-.Ltmp3, $4  }
0x2e: {  	[tilespmem:s17], [sflag:$0x1] =	stream.indirect_vreg.gather [hbm:s2], $0x80, v0, vm0, $0x38;
	[tilespmem:$0x10100] =	vst v63  }
0x2f: {  	s17 =	sadd.s32 $0x800, s17  }
0x30: {  	[tilespmem:s17], [sflag:$0x1] =	stream.indirect_vreg.gather [hbm:s2], $0x80, v0, vm1, $0x38;
	[tilespmem:$0x10100] =	vst v63  }
0x31: {  	p1 =	por $0x0, $0x0;
	v0 =	vadd.s32 $0x80, v0;
	s17 =	simm.s32 $0x1000  }
0x32: {  	s15 =	sadd.s32 $0x1, s15  }
0x33: {  	p1 =	sne.s32 s15, $0x8  }
.Ltmp4:
0x34: {  	_ = 	snop;
	(pc) =	sbr.rel @p1 .LBB2_3-.Ltmp4, $1  }
0x35: {  	_ =	sdelay $0x3  }
0x36: {  	s13 =	sshll.u32 s11, $0x5  }
0x37: {  	s31 =	sshll.u32 s11, $0x4;
	s13 =	sand.u32 $0xFFFFFF00, s13  }
0x38: {  	_ =	swait.ge [sflag:s4], $0x8000;
	s11 =	sand.u32 $0x70, s31;
	s13 =	sadd.s32 s13, s3  }
0x39: {  	s14 =	sadd.s32 $0x800, s12;
	[sflag:s4] =	ssyncset.done $0x0;
	s11 =	sadd.s32 s11, s13  }
0x3a: {  	[sflag:s4] =	ssyncadd.s32 $0xFFFF8000;
	s13 =	simm.s32 $0x100;
	s15 =	sadd.s32 $0x0, s11  }
.LBB2_7:
0x3b: {  	[hbm:s15] =	stream.linear.scatter [tilespmem:s12], [sflag:$0x3], $0x800, $0x38;
	[tilespmem:$0x10100] =	vst v63  }
0x3c: {  	s15 =	smov.u32 s13;
	s12 =	smov.u32 s14;
	p1 =	sne.s32 s13, $0xF00  }
.Ltmp5:
0x3d: {  	s13 =	sadd.s32 $0x100, s13;
	(pc) =	sbr.rel @p1 .LBB2_7-.Ltmp5, $2  }
0x3e: {  	_ =	sdelay $0x2  }
0x3f: {  	s14 =	sadd.s32 $0x800, s14;
	s15 =	sadd.s32 s15, s11  }
.Ltmp6:
0x40: {  	_ = 	snop;
	(pc) =	sbr.rel .LBB2_8-.Ltmp6, $1  }
0x41: {  	_ =	sdelay $0x3  }
.LBB2_10:
0x42: {  	_ =	sfence.sel $0x180000  }
0x43: {  	s2 =	simm.s32 $0x2;
	[bflag:$0x0] =	sbarrier.arrive $0xFFFF  }
0x44: {  	s30 =	simm.s32 $0x3;
	[sflag:s2] =	ssyncpa.u1 $0x1  }
0x45: {  	s31 =	simm.s32 $0x1;
	[sflag:s30] =	ssyncpa.u1 $0x1  }
0x46: {  	[sflag:s31] =	ssyncpa.u1 $0x1  }
0x47: {  	p0 =	sne.s32 s1, $0x0;
	_ =	strace $0x90000047  }
0x48: {  	s0 =	sadd.s32 @!p0 $0x100000, s0;
	[bflag:$0x2] =	sbarrier.arrive $0xFFFF  }
0x49: {  	[sflag:s0] =	ssyncadd.tile.s32 @!p0 $0x1;
	_ =	shalt  }
.Lfunc_end2:
_tile_overlayer_lowered:
.L_overlay_start_2:
0x4a: {  	(tag) =	ssettag $0x2  }
0x4b: {  	s0 =	rddreg [dreg:$0x0];
	s2 =	stileid.u32  }
0x4c: {  	s1 =	rddreg [dreg:$0x1];
	p0 =	sne.s32 s2, $0x0  }
0x4d: {  	s3 =	rddreg [dreg:$0x2];
	[bflag:$0x3] =	sbarrier.arrive $0xFFFF;
	s2 =	simm.s32 @!p0 $0x1C01  }
0x4e: {  	[timem:s3], [sflag:s2] =	dma.local @!p0 [hbm:s0], s1  }
0x4f: {  	s0 =	simm.s32 @!p0 $0x1  }
0x50: {  	_ =	swait.ge @!p0 [sflag:s0], s1  }
0x51: {  	s1 =	ssub.s32 @!p0 $0x0, s1;
	[sflag:s0] =	ssyncset.done @!p0 $0x0  }
0x52: {  	[sflag:s0] =	ssyncadd.s32 @!p0 s1  }
0x53: {  	[bflag:$0x3] =	sbarrier.arrive $0xFFFF  }
0x54: {  	_ =	shalt  }

</sc_bundles>
